<compile_context>
chip_gen: v7x
topology: tpu7x:2x2x1
jax: 0.10.2.dev20260603
libtpu: 0.0.44.dev20260713+nightly
codegen_flags: <defaults>
</compile_context>

<pallas_src>
import functools

import jax
import jax.numpy as jnp
from jax import lax
from jax.experimental import pallas as pl
from jax.experimental.pallas import tpu as pltpu
from jax.experimental.pallas import tpu_sc as plsc

B, D, A, S = 16384, 128, 64, 64
BLK = 8192

NC, NS, L = 2, 16, 16
NW = NC * NS
W_ELEMS = B * A // NW


@functools.partial(
    pl.kernel,
    out_type=jax.ShapeDtypeStruct((B * A,), jnp.float32),
    mesh=plsc.VectorSubcoreMesh(core_axis_name="c", subcore_axis_name="s"),
    scratch_types=[pltpu.VMEM((W_ELEMS,), jnp.float32)],
    compiler_params=pltpu.CompilerParams(needs_layout_passes=False),
)
def _std_sc(out_hbm, buf_v):
    wid = lax.axis_index("s") * NC + lax.axis_index("c")
    zeros16 = jnp.zeros((L,), jnp.float32)

    def zero_body(i, carry):
        b = i * (8 * L)
        for k in range(8):
            buf_v[pl.ds(b + k * L, L)] = zeros16
        return carry

    lax.fori_loop(0, W_ELEMS // (8 * L), zero_body, 0)
    pltpu.sync_copy(buf_v, out_hbm.at[pl.ds(wid * W_ELEMS, W_ELEMS)])


def _tc_body(state_ref, wt_ref, bias_ref, wv_ref, bv_ref,
             mean_ref, value_ref, onehot_ref):
    x = state_ref[...]
    res = jnp.dot(x, wt_ref[...]) + bias_ref[...]
    mean_ref[...] = res[:, :A]
    value_ref[...] = lax.dot_general(
        wv_ref[...], x, (((1,), (1,)), ((), ()))) + bv_ref[...]
    logits = res[:, A:]
    idx = jnp.argmax(logits, axis=1)
    onehot_ref[...] = (
        lax.broadcasted_iota(jnp.int32, (BLK, S), 1) == idx[:, None]
    ).astype(jnp.float32)


@jax.jit
def kernel(state, W_skill, b_skill, W_action, b_action, W_value, b_value):
    wt = jnp.concatenate([W_action.T, W_skill.T], axis=1)
    bias = jnp.concatenate([b_action, b_skill])[None, :]

    grid = (B // BLK,)
    mean, value, one_hot = pl.pallas_call(
        _tc_body,
        grid=grid,
        in_specs=[
            pl.BlockSpec((BLK, D), lambda i: (i, 0)),
            pl.BlockSpec((D, 128), lambda i: (0, 0)),
            pl.BlockSpec((1, 128), lambda i: (0, 0)),
            pl.BlockSpec((1, D), lambda i: (0, 0)),
            pl.BlockSpec((1, 1), lambda i: (0, 0)),
        ],
        out_specs=[
            pl.BlockSpec((BLK, A), lambda i: (i, 0)),
            pl.BlockSpec((1, BLK), lambda i: (0, i)),
            pl.BlockSpec((BLK, S), lambda i: (i, 0)),
        ],
        out_shape=[
            jax.ShapeDtypeStruct((B, A), jnp.float32),
            jax.ShapeDtypeStruct((1, B), jnp.float32),
            jax.ShapeDtypeStruct((B, S), jnp.float32),
        ],
        compiler_params=pltpu.CompilerParams(
            dimension_semantics=("arbitrary",),
        ),
    )(state, wt, bias, W_value, b_value[None, :])
    std = _std_sc().reshape(B, A)
    return (mean, std, value[0], one_hot)

# --- scband reference (transcript-rebuilt; emitter-appended) ---
"""Pipeline reference for scband-hierarchical-policy-30717606101346 (READ-ONLY COPY).

The authoritative reference and input builder live on the scoring server;
editing this copy changes nothing except your own understanding.
"""

import jax, jax.numpy as jnp
import numpy as np

B, D, A, S = 16384, 128, 64, 64


def setup_inputs(seed: int = 0) -> dict:
    key = jax.random.key(seed)
    ks = jax.random.split(key, 7)
    scale = 1.0 / np.sqrt(D)
    state = jax.random.normal(ks[0], (B, D), dtype=jnp.float32)
    W_skill = jax.random.uniform(ks[1], (S, D), dtype=jnp.float32, minval=-scale, maxval=scale)
    b_skill = jax.random.uniform(ks[2], (S,), dtype=jnp.float32, minval=-scale, maxval=scale)
    W_action = jax.random.uniform(ks[3], (A, D), dtype=jnp.float32, minval=-scale, maxval=scale)
    b_action = jax.random.uniform(ks[4], (A,), dtype=jnp.float32, minval=-scale, maxval=scale)
    W_value = jax.random.uniform(ks[5], (1, D), dtype=jnp.float32, minval=-scale, maxval=scale)
    b_value = jax.random.uniform(ks[6], (1,), dtype=jnp.float32, minval=-scale, maxval=scale)
    return {"state": state, "W_skill": W_skill, "b_skill": b_skill,
            "W_action": W_action, "b_action": b_action,
            "W_value": W_value, "b_value": b_value}


def reference(state, W_skill, b_skill, W_action, b_action, W_value, b_value):
    # action_head
    mean = state @ W_action.T + b_action
    std = jnp.zeros_like(mean)
    # value_head with squeeze(-1)
    value = (state @ W_value.T + b_value).squeeze(-1)
    # select_skill (deterministic=True): softmax -> argmax -> one-hot scatter
    logits = state @ W_skill.T + b_skill
    probs = jax.nn.softmax(logits, axis=-1)
    idx = jnp.argmax(probs, axis=-1)
    one_hot = jnp.zeros_like(probs).at[jnp.arange(probs.shape[0]), idx].set(1.0)
    return (mean, std, value, one_hot)

if __name__ == "__main__":
    import jax
    _d = setup_inputs()
    print(jax.jit(kernel)(*tuple(_d.values())))

</pallas_src>

<mosaic_0001>
#map = affine_map<(d0, d1) -> (0)>
module attributes {stable_mosaic.version = 14 : i64} {
  func.func @_std_sc(%arg0: i32, %arg1: i32, %arg2: memref<1048576xf32, #tpu.memory_space<hbm>>, %arg3: memref<32768xf32, #tpu.memory_space<vmem>>) attributes {dimension_semantics = [#tpu.dimension_semantics<core_parallel>, #tpu.dimension_semantics<subcore_parallel>], iteration_bounds = array<i64: 2, 16>, scalar_prefetch = 0 : i64, scratch_operands = 1 : i64, tpu.core_type = #tpu.core_type<sc_vector_subcore>, window_params = [{transform_indices = #map}]} {
    %mul3A = arith.constant 2 : i32
    %mul3A_0 = arith.muli %arg1, %mul3A : i32
    %add3A = arith.addi %mul3A_0, %arg0 : i32
    %broadcast_in_dim3A = arith.constant 0.000000e+00 : f32
    %broadcast_in_dim3A_1 = vector.broadcast %broadcast_in_dim3A : f32 to vector<16xf32>
    %scan3A = arith.constant 0 : i32
    %scan3A_2 = arith.constant 0 : i32
    %scan3A_3 = arith.constant 256 : i32
    %scan3A_4 = arith.addi %scan3A_2, %scan3A_3 : i32
    %scan3A_5 = arith.constant 1 : i32
    scf.for %scan3A_9 = %scan3A_2 to %scan3A_4 step %scan3A_5  : i32 {
      %mul3A_10 = arith.constant 128 : i32
      %mul3A_11 = arith.muli %scan3A_9, %mul3A_10 : i32
      %add3A_12 = arith.constant 0 : i32
      %add3A_13 = arith.addi %mul3A_11, %add3A_12 : i32
      %swap3A = arith.index_cast %add3A_13 : i32 to index
      %swap3A_14 = tpu.vector_load %arg3[%swap3A] {strides = array<i32>} : memref<32768xf32, #tpu.memory_space<vmem>>, vector<16xf32>,
      tpu.vector_store %arg3[%swap3A], %broadcast_in_dim3A_1 {strides = array<i32>} : memref<32768xf32, #tpu.memory_space<vmem>>, vector<16xf32>,
      %add3A_15 = arith.constant 16 : i32
      %add3A_16 = arith.addi %mul3A_11, %add3A_15 : i32
      %swap3A_17 = arith.index_cast %add3A_16 : i32 to index
      %swap3A_18 = tpu.vector_load %arg3[%swap3A_17] {strides = array<i32>} : memref<32768xf32, #tpu.memory_space<vmem>>, vector<16xf32>,
      tpu.vector_store %arg3[%swap3A_17], %broadcast_in_dim3A_1 {strides = array<i32>} : memref<32768xf32, #tpu.memory_space<vmem>>, vector<16xf32>,
      %add3A_19 = arith.constant 32 : i32
      %add3A_20 = arith.addi %mul3A_11, %add3A_19 : i32
      %swap3A_21 = arith.index_cast %add3A_20 : i32 to index
      %swap3A_22 = tpu.vector_load %arg3[%swap3A_21] {strides = array<i32>} : memref<32768xf32, #tpu.memory_space<vmem>>, vector<16xf32>,
      tpu.vector_store %arg3[%swap3A_21], %broadcast_in_dim3A_1 {strides = array<i32>} : memref<32768xf32, #tpu.memory_space<vmem>>, vector<16xf32>,
      %add3A_23 = arith.constant 48 : i32
      %add3A_24 = arith.addi %mul3A_11, %add3A_23 : i32
      %swap3A_25 = arith.index_cast %add3A_24 : i32 to index
      %swap3A_26 = tpu.vector_load %arg3[%swap3A_25] {strides = array<i32>} : memref<32768xf32, #tpu.memory_space<vmem>>, vector<16xf32>,
      tpu.vector_store %arg3[%swap3A_25], %broadcast_in_dim3A_1 {strides = array<i32>} : memref<32768xf32, #tpu.memory_space<vmem>>, vector<16xf32>,
      %add3A_27 = arith.constant 64 : i32
      %add3A_28 = arith.addi %mul3A_11, %add3A_27 : i32
      %swap3A_29 = arith.index_cast %add3A_28 : i32 to index
      %swap3A_30 = tpu.vector_load %arg3[%swap3A_29] {strides = array<i32>} : memref<32768xf32, #tpu.memory_space<vmem>>, vector<16xf32>,
      tpu.vector_store %arg3[%swap3A_29], %broadcast_in_dim3A_1 {strides = array<i32>} : memref<32768xf32, #tpu.memory_space<vmem>>, vector<16xf32>,
      %add3A_31 = arith.constant 80 : i32
      %add3A_32 = arith.addi %mul3A_11, %add3A_31 : i32
      %swap3A_33 = arith.index_cast %add3A_32 : i32 to index
      %swap3A_34 = tpu.vector_load %arg3[%swap3A_33] {strides = array<i32>} : memref<32768xf32, #tpu.memory_space<vmem>>, vector<16xf32>,
      tpu.vector_store %arg3[%swap3A_33], %broadcast_in_dim3A_1 {strides = array<i32>} : memref<32768xf32, #tpu.memory_space<vmem>>, vector<16xf32>,
      %add3A_35 = arith.constant 96 : i32
      %add3A_36 = arith.addi %mul3A_11, %add3A_35 : i32
      %swap3A_37 = arith.index_cast %add3A_36 : i32 to index
      %swap3A_38 = tpu.vector_load %arg3[%swap3A_37] {strides = array<i32>} : memref<32768xf32, #tpu.memory_space<vmem>>, vector<16xf32>,
      tpu.vector_store %arg3[%swap3A_37], %broadcast_in_dim3A_1 {strides = array<i32>} : memref<32768xf32, #tpu.memory_space<vmem>>, vector<16xf32>,
      %add3A_39 = arith.constant 112 : i32
      %add3A_40 = arith.addi %mul3A_11, %add3A_39 : i32
      %swap3A_41 = arith.index_cast %add3A_40 : i32 to index
      %swap3A_42 = tpu.vector_load %arg3[%swap3A_41] {strides = array<i32>} : memref<32768xf32, #tpu.memory_space<vmem>>, vector<16xf32>,
      tpu.vector_store %arg3[%swap3A_41], %broadcast_in_dim3A_1 {strides = array<i32>} : memref<32768xf32, #tpu.memory_space<vmem>>, vector<16xf32>,
    }
    %scan3A_6 = arith.constant 256 : i32
    %mul3A_7 = arith.constant 32768 : i32
    %mul3A_8 = arith.muli %add3A, %mul3A_7 : i32
    "tpu.region"() ({
      %run_scoped3A = tpu.sem_alloc : memref<!tpu.dma_semaphore, #tpu.memory_space<semaphore_mem>>
      %dma_start3A = tpu.memref_slice %arg2[%mul3A_8] : memref<1048576xf32, #tpu.memory_space<hbm>> -> memref<32768xf32, #tpu.memory_space<hbm>>
      %dma_start3A_9 = tpu.memref_slice %arg2[%mul3A_8] : memref<1048576xf32, #tpu.memory_space<hbm>> -> memref<32768xf32, #tpu.memory_space<hbm>>
      tpu.enqueue_dma source(%arg3 : memref<32768xf32, #tpu.memory_space<vmem>>) target(%dma_start3A_9 : memref<32768xf32, #tpu.memory_space<hbm>>) target_semaphore(%run_scoped3A : memref<!tpu.dma_semaphore, #tpu.memory_space<semaphore_mem>>)
      %dma_wait3A = tpu.memref_slice %arg2[%mul3A_8] : memref<1048576xf32, #tpu.memory_space<hbm>> -> memref<32768xf32, #tpu.memory_space<hbm>>
      %dma_wait3A_10 = tpu.memref_slice %arg2[%mul3A_8] : memref<1048576xf32, #tpu.memory_space<hbm>> -> memref<32768xf32, #tpu.memory_space<hbm>>
      tpu.wait_dma2 semaphore(%run_scoped3A : memref<!tpu.dma_semaphore, #tpu.memory_space<semaphore_mem>>) src(%arg3 : memref<32768xf32, #tpu.memory_space<vmem>>) dst(%dma_wait3A_10 : memref<32768xf32, #tpu.memory_space<hbm>>)
      tpu.yield
    }) : () -> ()
    return
  }
}

module attributes {stable_mosaic.version = 14 : i64} {
  func.func @_tc_body(%arg0: i32, %arg1: memref<8192x128xf32, #tpu.memory_space<vmem>>, %arg2: memref<128x128xf32, #tpu.memory_space<vmem>>, %arg3: memref<1x128xf32, #tpu.memory_space<vmem>>, %arg4: memref<1x128xf32, #tpu.memory_space<vmem>>, %arg5: memref<1x1xf32, #tpu.memory_space<vmem>>, %arg6: memref<8192x64xf32, #tpu.memory_space<vmem>>, %arg7: memref<1x8192xf32, #tpu.memory_space<vmem>>, %arg8: memref<8192x64xf32, #tpu.memory_space<vmem>>) attributes {dimension_semantics = [#tpu.dimension_semantics<arbitrary>], iteration_bounds = array<i64: 2>, scalar_prefetch = 0 : i64, scratch_operands = 0 : i64, tpu.core_type = #tpu.core_type<tc>, window_params = [{transform_indices = @transform_0, window_bounds = array<i64: 8192, 128>}, {pipeline_mode = #tpu.pipeline_mode<synchronous>, transform_indices = @transform_1, window_bounds = array<i64: 128, 128>}, {pipeline_mode = #tpu.pipeline_mode<synchronous>, transform_indices = @transform_2, window_bounds = array<i64: 1, 128>}, {pipeline_mode = #tpu.pipeline_mode<synchronous>, transform_indices = @transform_3, window_bounds = array<i64: 1, 128>}, {pipeline_mode = #tpu.pipeline_mode<synchronous>, transform_indices = @transform_4, window_bounds = array<i64: 1, 1>}, {transform_indices = @transform_5, window_bounds = array<i64: 8192, 64>}, {transform_indices = @transform_6, window_bounds = array<i64: 1, 8192>}, {transform_indices = @transform_7, window_bounds = array<i64: 8192, 64>}]} {
    %get3A = arith.constant 0 : index
    %get3A_0 = arith.constant 0 : index
    %get3A_1 = vector.load %arg1[%get3A, %get3A_0] : memref<8192x128xf32, #tpu.memory_space<vmem>>, vector<8192x128xf32>
    %get3A_2 = arith.constant 0 : index
    %get3A_3 = arith.constant 0 : index
    %get3A_4 = vector.load %arg2[%get3A_2, %get3A_3] : memref<128x128xf32, #tpu.memory_space<vmem>>, vector<128x128xf32>
    %dot_general3A = arith.constant dense<0.000000e+00> : vector<8192x128xf32>
    %dot_general3A_5 = tpu.matmul %get3A_1, %get3A_4, %dot_general3A {dimension_numbers = #tpu.dot_dimension_numbers<[1], [0], [0], [1], [0, 0, 1, 1], [], []>, transpose_lhs_hint = false} : vector<8192x128xf32>, vector<128x128xf32>, vector<8192x128xf32> -> vector<8192x128xf32>
    %get3A_6 = arith.constant 0 : index
    %get3A_7 = arith.constant 0 : index
    %get3A_8 = vector.load %arg3[%get3A_6, %get3A_7] : memref<1x128xf32, #tpu.memory_space<vmem>>, vector<1x128xf32>
    %add3A = vector.broadcast %get3A_8 : vector<1x128xf32> to vector<8192x128xf32>
    %add3A_9 = arith.addf %dot_general3A_5, %add3A : vector<8192x128xf32>
    %slice3A = vector.extract_strided_slice %add3A_9 {offsets = [0, 0], sizes = [8192, 64], strides = [1, 1]} : vector<8192x128xf32> to vector<8192x64xf32>
    %swap3A = arith.constant 0 : index
    %swap3A_10 = arith.constant 0 : index
    %swap3A_11 = vector.load %arg6[%swap3A, %swap3A_10] : memref<8192x64xf32, #tpu.memory_space<vmem>>, vector<8192x64xf32>
    tpu.vector_store %arg6[%swap3A, %swap3A_10], %slice3A {strides = array<i32>} : memref<8192x64xf32, #tpu.memory_space<vmem>>, vector<8192x64xf32>,
    %get3A_12 = arith.constant 0 : index
    %get3A_13 = arith.constant 0 : index
    %get3A_14 = vector.load %arg4[%get3A_12, %get3A_13] : memref<1x128xf32, #tpu.memory_space<vmem>>, vector<1x128xf32>
    %dot_general3A_15 = arith.constant dense<0.000000e+00> : vector<1x8192xf32>
    %dot_general3A_16 = tpu.matmul %get3A_14, %get3A_1, %dot_general3A_15 {dimension_numbers = #tpu.dot_dimension_numbers<[1], [1], [0], [0], [0, 0, 1, 0], [], []>, transpose_lhs_hint = false} : vector<1x128xf32>, vector<8192x128xf32>, vector<1x8192xf32> -> vector<1x8192xf32>
    %get3A_17 = arith.constant 0 : index
    %get3A_18 = arith.constant 0 : index
    %get3A_19 = vector.load %arg5[%get3A_17, %get3A_18] : memref<1x1xf32, #tpu.memory_space<vmem>>, vector<1x1xf32>
    %add3A_20 = vector.broadcast %get3A_19 : vector<1x1xf32> to vector<1x8192xf32>
    %add3A_21 = arith.addf %dot_general3A_16, %add3A_20 : vector<1x8192xf32>
    %swap3A_22 = arith.constant 0 : index
    %swap3A_23 = arith.constant 0 : index
    %swap3A_24 = vector.load %arg7[%swap3A_22, %swap3A_23] : memref<1x8192xf32, #tpu.memory_space<vmem>>, vector<1x8192xf32>
    tpu.vector_store %arg7[%swap3A_22, %swap3A_23], %add3A_21 {strides = array<i32>} : memref<1x8192xf32, #tpu.memory_space<vmem>>, vector<1x8192xf32>,
    %slice3A_25 = vector.extract_strided_slice %add3A_9 {offsets = [0, 64], sizes = [8192, 64], strides = [1, 1]} : vector<8192x128xf32> to vector<8192x64xf32>
    %argmax3A = tpu.reduce_index %slice3A_25 {axis = 1 : i32, kind = #tpu.reduction_kind<arg_max>} : vector<8192x64xf32> -> vector<8192xi32>
    %iota3A = tpu.iota {dimensions = array<i32: 1>} : vector<8192x64xi32>
    %broadcast_in_dim3A = vector.shape_cast %argmax3A : vector<8192xi32> to vector<8192x1xi32>
    %eq3A = vector.broadcast %broadcast_in_dim3A : vector<8192x1xi32> to vector<8192x64xi32>
    %eq3A_26 = arith.cmpi eq, %iota3A, %eq3A : vector<8192x64xi32>
    %convert_element_type3A = arith.extui %eq3A_26 : vector<8192x64xi1> to vector<8192x64xi32>
    %convert_element_type3A_27 = arith.sitofp %convert_element_type3A : vector<8192x64xi32> to vector<8192x64xf32>
    %swap3A_28 = arith.constant 0 : index
    %swap3A_29 = arith.constant 0 : index
    %swap3A_30 = vector.load %arg8[%swap3A_28, %swap3A_29] : memref<8192x64xf32, #tpu.memory_space<vmem>>, vector<8192x64xf32>
    tpu.vector_store %arg8[%swap3A_28, %swap3A_29], %convert_element_type3A_27 {strides = array<i32>} : memref<8192x64xf32, #tpu.memory_space<vmem>>, vector<8192x64xf32>,
    return
  }
  func.func @transform_0(%arg0: i32) -> (i32, i32) {
    %c0_i32 = arith.constant 0 : i32
    %c0_i32_0 = arith.constant 0 : i32
    return %arg0, %c0_i32 : i32, i32
  }
  func.func @transform_1(%arg0: i32) -> (i32, i32) {
    %c0_i32 = arith.constant 0 : i32
    %c0_i32_0 = arith.constant 0 : i32
    %c0_i32_1 = arith.constant 0 : i32
    return %c0_i32, %c0_i32_0 : i32, i32
  }
  func.func @transform_2(%arg0: i32) -> (i32, i32) {
    %c0_i32 = arith.constant 0 : i32
    %c0_i32_0 = arith.constant 0 : i32
    %c0_i32_1 = arith.constant 0 : i32
    return %c0_i32, %c0_i32_0 : i32, i32
  }
  func.func @transform_3(%arg0: i32) -> (i32, i32) {
    %c0_i32 = arith.constant 0 : i32
    %c0_i32_0 = arith.constant 0 : i32
    %c0_i32_1 = arith.constant 0 : i32
    return %c0_i32, %c0_i32_0 : i32, i32
  }
  func.func @transform_4(%arg0: i32) -> (i32, i32) {
    %c0_i32 = arith.constant 0 : i32
    %c0_i32_0 = arith.constant 0 : i32
    %c0_i32_1 = arith.constant 0 : i32
    return %c0_i32, %c0_i32_0 : i32, i32
  }
  func.func @transform_5(%arg0: i32) -> (i32, i32) {
    %c0_i32 = arith.constant 0 : i32
    %c0_i32_0 = arith.constant 0 : i32
    return %arg0, %c0_i32 : i32, i32
  }
  func.func @transform_6(%arg0: i32) -> (i32, i32) {
    %c0_i32 = arith.constant 0 : i32
    %c0_i32_0 = arith.constant 0 : i32
    return %c0_i32, %arg0 : i32, i32
  }
  func.func @transform_7(%arg0: i32) -> (i32, i32) {
    %c0_i32 = arith.constant 0 : i32
    %c0_i32_0 = arith.constant 0 : i32
    return %arg0, %c0_i32 : i32, i32
  }
}

</mosaic_0001>

<sc_bundles>
// kernel: kernel.4.cloned.1.call-start
scs
__scs_entry_jumppad:
0x0: {  	(pc) =	sbr.rel $0x88, $3  }
0x1: {  	(tag) =	ssettag $0x0;
	lr =	simm.s32 $0x1  }
0x2: {  	[smem:$0x3F9A] =	sst lr;
	_ =	strace $0xD0000000  }
0x3: {  	_ = 	snop  }
0x4: {  	_ = 	snop  }
0x5: {  	_ = 	snop  }
0x6: {  	_ = 	snop  }
0x7: {  	_ = 	snop  }
__scs_overlays_trampoline_lowered:
0x8: {  	[smem:$0x3FA9] =	sst s0  }
0x9: {  	[smem:$0x3FAA] =	sst s1  }
0xa: {  	[smem:$0x3FAB] =	sst s2  }
0xb: {  	[smem:$0x3FAC] =	sst s3  }
0xc: {  	[smem:$0x3FAD] =	sst s4  }
0xd: {  	[smem:$0x3FAE] =	sst s5  }
0xe: {  	[smem:$0x3FAF] =	sst s6  }
0xf: {  	[smem:$0x3FB0] =	sst s7  }
0x10: {  	[smem:$0x3FB1] =	sst s8  }
0x11: {  	[smem:$0x3FB2] =	sst s9;
	s0 =	simm.s32 @!p0 $0x0  }
0x12: {  	s1 =	sld [smem:$0x3F98];
	s0 =	simm.s32 @p0 $0x1  }
0x13: {  	[smem:$0x3FB3] =	sst s0;
	s0 =	simm.s32 @!p1 $0x0  }
0x14: {  	s2 =	sld [smem:$0x3F97];
	s0 =	simm.s32 @p1 $0x1  }
0x15: {  	[smem:$0x3FB4] =	sst s0;
	s0 =	simm.s32 @!p2 $0x0  }
0x16: {  	s3 =	sld [smem:$0x3FDB];
	s0 =	simm.s32 @p2 $0x1  }
0x17: {  	s4 =	simm.s32 $0x1BF5;
	[smem:$0x3FB6] =	sst s0  }
0x18: {  	s0 =	sld [smem:$0x3F99];
	_ =	swait.ge [sflag:s4], $0x0  }
0x19: {  	s7 =	sld [smem:$0x3F9A]  }
0x1a: {  	s8 =	sadd.s32 $0xFFFFE003, lr  }
0x1b: {  	s9 =	sadd.s32 $0xFFFFFEF7, lr;
	s5 =	simm.s32 $0xFFFFFFFF;
	p2 =	slt.u32 s8, $0xFFFFF086  }
0x1c: {  	p1 =	slt.u32 s9, $0xF7A;
	s5 =	simm.s32 @!p2 $0x0  }
0x1d: {  	s5 =	simm.s32 @p1 $0x1;
	p0 =	seq.s32 s7, s2  }
0x1e: {  	s7 =	smul.u32 @!p0 $0xF7A, s2;
	p2 =	seq.s32 @!p0 s5, $0x0  }
0x1f: {  	s9 =	smul.u32 $0xF7A, s1;
	s8 =	simm.s32 @!p0 $0x1BF5;
	p2 =	por !p2, p0  }
0x20: {  	[sflag:s8] =	ssyncset.s32 @!p0 $0xFFFFF086;
	s6 =	sadd.s32 @!p0 s3, s7;
	s7 =	simm.s32 @!p0 $0x108  }
0x21: {  	s3 =	sadd.s32 s3, s9;
	s6 =	sadd.s32 @!p0 $0x88, s6;
	s7 =	simm.s32 @p2 $0x1082  }
0x22: {  	[simem:s7], [sflag:s8] =	dma.local @!p0 [hbm:s6], $0xF7A  }
0x23: {  	s9 =	sor.u32 $0xD0000000, s2;
	s6 =	simm.s32 $0x108;
	_ =	swait.ge @!p0 [sflag:s8], $0x0  }
0x24: {  	s3 =	sadd.s32 $0x88, s3;
	s6 =	simm.s32 @!p1 $0x1082;
	[sflag:s4] =	ssyncset.s32 $0xFFFFF086  }
0x25: {  	[simem:s6], [sflag:s4] =	dma.local [hbm:s3], $0xF7A  }
0x26: {  	[smem:$0x3F9A] =	sst s1;
	(tag) =	ssettag s2;
	_ =	strace s9  }
0x27: {  	s1 =	sld [smem:$0x3FAA]  }
0x28: {  	s2 =	sld [smem:$0x3FAB]  }
0x29: {  	s4 =	sld [smem:$0x3FAD]  }
0x2a: {  	p0 =	seq.s32 s5, $0x0;
	s5 =	sld [smem:$0x3FAE]  }
0x2b: {  	s6 =	sld [smem:$0x3FAF]  }
0x2c: {  	s7 =	sld [smem:$0x3FB0]  }
0x2d: {  	s3 =	simm.s32 $0x108;
	s8 =	sld [smem:$0x3FB1]  }
0x2e: {  	s3 =	simm.s32 @!p0 $0x1082;
	s9 =	sld [smem:$0x3FB2]  }
0x2f: {  	lr =	sadd.s32 s0, s3;
	s0 =	sld [smem:$0x3FA9]  }
0x30: {  	s3 =	sld [smem:$0x3FAC]  }
0x31: {  	[smem:$0x3FB5] =	sst s10  }
0x32: {  	s10 =	sld [smem:$0x3FB3];
	_ =	sdelay $0x3  }
0x33: {  	p0 =	seq.s32 s10, $0x1;
	s10 =	sld [smem:$0x3FB5];
	_ =	sdelay $0x3  }
0x34: {  	[smem:$0x3FB5] =	sst s10  }
0x35: {  	s10 =	sld [smem:$0x3FB4];
	_ =	sdelay $0x3  }
0x36: {  	p1 =	seq.s32 s10, $0x1;
	s10 =	sld [smem:$0x3FB5];
	_ =	sdelay $0x3  }
0x37: {  	[smem:$0x3FB5] =	sst s10  }
0x38: {  	s10 =	sld [smem:$0x3FB6]  }
0x39: {  	_ = 	snop;
	(pc) =	sbr.ind lr, $3  }
0x3a: {  	_ = 	snop  }
0x3b: {  	_ = 	snop  }
0x3c: {  	p2 =	seq.s32 s10, $0x1;
	s10 =	sld [smem:$0x3FB5]  }
0x3d: {  	_ =	shalt  }
0x3e: {  	_ =	shalt  }
0x3f: {  	_ =	shalt  }
0x40: {  	_ =	shalt  }
0x41: {  	_ =	shalt  }
0x42: {  	_ =	shalt  }
0x43: {  	_ =	shalt  }
0x44: {  	_ =	shalt  }
0x45: {  	_ =	shalt  }
0x46: {  	_ =	shalt  }
0x47: {  	_ =	shalt  }
0x48: {  	_ =	shalt  }
0x49: {  	_ =	shalt  }
0x4a: {  	_ =	shalt  }
0x4b: {  	_ =	shalt  }
0x4c: {  	_ =	shalt  }
0x4d: {  	_ =	shalt  }
0x4e: {  	_ =	shalt  }
0x4f: {  	_ =	shalt  }
0x50: {  	_ =	shalt  }
0x51: {  	_ =	shalt  }
0x52: {  	_ =	shalt  }
0x53: {  	_ =	shalt  }
0x54: {  	_ =	shalt  }
0x55: {  	_ =	shalt  }
0x56: {  	_ =	shalt  }
0x57: {  	_ =	shalt  }
0x58: {  	_ =	shalt  }
0x59: {  	_ =	shalt  }
0x5a: {  	_ =	shalt  }
0x5b: {  	_ =	shalt  }
0x5c: {  	_ =	shalt  }
0x5d: {  	_ =	shalt  }
0x5e: {  	_ =	shalt  }
0x5f: {  	_ =	shalt  }
0x60: {  	_ =	shalt  }
0x61: {  	_ =	shalt  }
0x62: {  	_ =	shalt  }
0x63: {  	_ =	shalt  }
0x64: {  	_ =	shalt  }
0x65: {  	_ =	shalt  }
0x66: {  	_ =	shalt  }
0x67: {  	_ =	shalt  }
0x68: {  	_ =	shalt  }
0x69: {  	_ =	shalt  }
0x6a: {  	_ =	shalt  }
0x6b: {  	_ =	shalt  }
0x6c: {  	_ =	shalt  }
0x6d: {  	_ =	shalt  }
0x6e: {  	_ =	shalt  }
0x6f: {  	_ =	shalt  }
0x70: {  	_ =	shalt  }
0x71: {  	_ =	shalt  }
0x72: {  	_ =	shalt  }
0x73: {  	_ =	shalt  }
0x74: {  	_ =	shalt  }
0x75: {  	_ =	shalt  }
0x76: {  	_ =	shalt  }
0x77: {  	_ =	shalt  }
0x78: {  	_ =	shalt  }
0x79: {  	_ =	shalt  }
0x7a: {  	_ =	shalt  }
0x7b: {  	_ =	shalt  }
0x7c: {  	_ =	shalt  }
0x7d: {  	_ =	shalt  }
0x7e: {  	_ =	shalt  }
0x7f: {  	_ =	shalt  }
0x80: {  	_ =	shalt  }
0x81: {  	_ =	shalt  }
0x82: {  	_ =	shalt  }
0x83: {  	_ =	shalt  }
0x84: {  	_ =	shalt  }
0x85: {  	_ =	shalt  }
0x86: {  	_ =	shalt  }
0x87: {  	_ =	shalt  }
.Lfunc_end0:
.L_simem_size_0:
called_computation_lowered:
.L_overlay_start_0:
0x88: {  	s2 =	sld [smem:$0x3FD9]  }
0x89: {  	s3 =	sld [smem:$0x3FFE];
	_ =	sdelay $0x1  }
0x8a: {  	s1 =	srdreg.scid  }
0x8b: {  	s0 =	sand.u32 $0x1, s1  }
0x8c: {  	s15 =	sshll.u32 s0, $0xA;
	s2 =	sadd.s32 s3, s2  }
0x8d: {  	s2 =	sadd.s32 s2, s15  }
0x8e: {  	[smem:$0x3FC1] =	sst s2  }
0x8f: {  	_ = 	snop  }
0x90: {  	s2 =	sld [smem:$0x3FD0];
	_ =	sdelay $0x2  }
0x91: {  	s16 =	simm.s32 $0xA;
	s4 =	simm.s32 $0x10  }
0x92: {  	[smem:s4], [sflag:s16] =	dma.local [hbm:s2], $0x1  }
0x93: {  	_ =	swait.eq [sflag:s16], $0x1  }
0x94: {  	[sflag:s16] =	ssyncset.done $0x0  }
0x95: {  	[sflag:s16] =	ssyncadd.s32 $0xFFFFFFFF  }
0x96: {  	s17 =	sld [smem:$0x11];
	(tm) =	ssettm $0x1  }
0x97: {  	s18 =	sld [smem:$0x3FFB];
	_ =	sdelay $0x3  }
0x98: {  	_ =	strace s18  }
0x99: {  	s3 =	sld [smem:$0x3FFC];
	_ =	sdelay $0x3  }
0x9a: {  	_ =	strace s3  }
0x9b: {  	s3 =	sld [smem:$0x3FFD];
	_ =	sdelay $0x3  }
0x9c: {  	_ =	strace s3  }
0x9d: {  	_ =	strace $0x8FFFFFFF  }
0x9e: {  	s19 =	sld [smem:$0x3FDB];
	_ =	sdelay $0x1  }
0x9f: {  	s20 =	simm.s32 $_scs_section_size  }
0xa0: {  	s5 =	simm.s32 $_size__tile_overlayer_lowered;
	s6 =	simm.s32 $_tile_overlayer_lowered  }
0xa1: {  	s23 =	simm.s32 $0x1BFF;
	s22 =	sshll.u32 s6, $0x1;
	s3 =	sadd.s32 s20, s19  }
0xa2: {  	s7 =	simm.s32 $0x0;
	s21 =	sshll.u32 s5, $0x1;
	s5 =	sadd.s32 s22, s3  }
0xa3: {  	[timem:s7], [sflag:s23] =	dma.local [hbm:s5], s21  }
0xa4: {  	_ =	swait.ge [sflag:s23], s21  }
0xa5: {  	s4 =	ssub.s32 $0x0, s21;
	[sflag:s23] =	ssyncset.done $0x0  }
0xa6: {  	[sflag:s23] =	ssyncadd.s32 s4;
	_ =	sdelay $0x1  }
0xa7: {  	s24 =	simm.s32 $0x1B8B  }
0xa8: {  	_ =	swait.ge [sflag:s24], $0x1  }
0xa9: {  	[sflag:s24] =	ssyncset.done $0x0  }
0xaa: {  	s25 =	simm.s32 $0x1B8E;
	[sflag:s24] =	ssyncadd.s32 $0xFFFFFFFF  }
0xab: {  	s26 =	simm.s32 $execute0_lowered;
	[smem:$0x3FD2] =	sst s25  }
0xac: {  	s4 =	sshll.u32 s26, $0x1;
	_ =	strace $0x80000046;
	[dreg:$0x1] =	wrdreg $0xFFFFFFFF  }
0xad: {  	s28 =	simm.s32 $_size_execute0_lowered;
	s3 =	sadd.s32 s3, s4;
	[dreg:$0x0] =	wrdreg $0x0  }
0xae: {  	s4 =	sshll.u32 s28, $0x1;
	[dreg:$0x2] =	wrdreg s3  }
0xaf: {  	[dreg:$0x3] =	wrdreg s4  }
0xb0: {  	[dreg:$0x4] =	wrdreg $0xC0  }
0xb1: {  	_ =	task [dreg:s7], $0x5FFFF  }
0xb2: {  	[dreg:$0x1] =	wrdreg $0xFFFFFFFF  }
0xb3: {  	[dreg:$0x0] =	wrdreg $0x60  }
0xb4: {  	[dreg:$0x2] =	wrdreg s17  }
0xb5: {  	[dreg:$0x3] =	wrdreg $0x9  }
0xb6: {  	_ =	task.clear_ibuf [dreg:s7], $0x4FFFF;
	_ =	strace $0x90000046  }
0xb7: {  	s29 =	simm.s32 $0x9;
	_ =	strace $0x80000048  }
0xb8: {  	_ =	swait.ge [sflag:s29], $0x1  }
0xb9: {  	[sflag:s29] =	ssyncadd.s32 $0xFFFFFFFF  }
0xba: {  	_ =	strace $0x90000048  }
0xbb: {  	_ =	sfence  }
0xbc: {  	s30 =	sld [smem:$0x0];
	_ =	sdelay $0x2  }
0xbd: {  	s31 =	sshll.u32 s1, $0xD;
	s1 =	sshrl.u32 s1, $0x2  }
0xbe: {  	s3 =	sand.u32 $0x4000, s31;
	s1 =	sadd.s32 s1, s30  }
0xbf: {  	s0 =	sor.u32 s3, s0;
	s1 =	sshll.u32 s1, $0x11  }
0xc0: {  	s0 =	sor.u32 s1, s0  }
0xc1: {  	s0 =	sadd.s32 $0x8F2B, s0  }
0xc2: {  	[sflag:s0] =	ssyncadd.remote.s32 $0x1  }
0xc3: {  	_ =	sfence.sel $0xFFFF  }
0xc4: {  	[dreg:$0x0] =	wrdreg $0xFFFFFFFF;
	(pc) =	sbr.abs _section_cstart, $3  }
0xc5: {  	[dreg:$0x1] =	wrdreg $0xFFFFFFFF  }
0xc6: {  	_ =	task.clear_ibuf [dreg:s7], $0x2FFFF;
	_ =	strace $0x9FFFFFFF  }
0xc7: {  	(tm) =	ssettm $0x7FFFFFFF  }
tec
execute0_lowered:
.L_overlay_start_1:
0x0: {  	(tag) =	ssettag $0x1  }
0x1: {  	s3 =	rddreg [dreg:$0x0]  }
0x2: {  	s0 =	rddreg [dreg:$0x1];
	s2 =	simm.s32 $0x0;
	s1 =	srdreg.scid  }
0x3: {  	[smem:$0x7FF] =	sst s2;
	s4 =	sand.u32 $0x1, s1  }
0x4: {  	s1 =	stileid.u32;
	s5 =	ssub.s32 $0x2, s4;
	s4 =	sshll.u32 s4, $0xC  }
0x5: {  	s31 =	sshll.u32 s1, $0xD;
	s6 =	sshrl.u32 s5, $0x1;
	s3 =	sadd.s32 s3, s4  }
0x6: {  	_ =	strace $0x80000047;
	s5 =	ssub.s32 s5, s6;
	s3 =	sadd.s32 s31, s3  }
0x7: {  	v0 =	vimm.f32 $0.0e+00;
	s6 =	simm.s32 $0x0;
	s4 =	smax.u32 s5, $0x1;
	s5 =	simm.s32 $0x1  }
.LBB2_1:
0x8: {  	s7 =	simm.s32 $0x0;
	s8 =	simm.s32 $0x200  }
.LBB2_2:
0x9: {  	p0 =	sne.s32 s8, $0x1FE00;
	[tilespmem:s7+$0x70] =	vst v0  }
0xa: {  	[tilespmem:s7+$0x0] =	vst v0  }
0xb: {  	[tilespmem:s7+$0x10] =	vst v0  }
.Ltmp0:
0xc: {  	[tilespmem:s7+$0x20] =	vst v0;
	(pc) =	sbr.rel @p0 .LBB2_2-.Ltmp0, $4  }
0xd: {  	[tilespmem:s7+$0x30] =	vst v0  }
0xe: {  	[tilespmem:s7+$0x40] =	vst v0  }
0xf: {  	[tilespmem:s7+$0x50] =	vst v0  }
0x10: {  	[tilespmem:s7+$0x60] =	vst v0;
	s7 =	sshra.s32 s8, $0x2;
	s8 =	sadd.s32 $0x200, s8  }
0x11: {  	[tilespmem:s7+$0x70] =	vst v0  }
0x12: {  	[tilespmem:s7+$0x0] =	vst v0  }
0x13: {  	[tilespmem:s7+$0x10] =	vst v0  }
0x14: {  	[tilespmem:s7+$0x20] =	vst v0  }
0x15: {  	[tilespmem:s7+$0x30] =	vst v0  }
0x16: {  	[tilespmem:s7+$0x40] =	vst v0;
	s6 =	sadd.s32 $0x1, s6  }
0x17: {  	[tilespmem:s7+$0x50] =	vst v0;
	p0 =	sne.s32 s6, s4  }
.Ltmp1:
0x18: {  	[tilespmem:s7+$0x60] =	vst v0;
	(pc) =	sbr.rel @p0 .LBB2_1-.Ltmp1, $4  }
0x19: {  	[hbm4b:s3+s2] =	stream.linear.scatter [tilespmem:s2], [sflag:$0x1], $0x8000, $0x38;
	[tilespmem:$0x8000] =	vst v63  }
0x1a: {  	_ =	swait.ge [sflag:s5], $0x8000  }
0x1b: {  	[sflag:s5] =	ssyncset.done $0x0  }
0x1c: {  	[sflag:s5] =	ssyncadd.s32 $0xFFFF8000  }
0x1d: {  	_ =	sfence.sel $0x180000  }
0x1e: {  	[bflag:$0x0] =	sbarrier.arrive $0xFFFF  }
0x1f: {  	p0 =	sne.s32 s1, $0x0;
	_ =	strace $0x90000047  }
0x20: {  	s0 =	sadd.s32 @!p0 $0x100000, s0;
	[bflag:$0x2] =	sbarrier.arrive $0xFFFF  }
0x21: {  	[sflag:s0] =	ssyncadd.tile.s32 @!p0 $0x1;
	_ =	shalt  }
.Lfunc_end2:
_tile_overlayer_lowered:
.L_overlay_start_2:
0x22: {  	(tag) =	ssettag $0x2  }
0x23: {  	s0 =	rddreg [dreg:$0x0];
	s2 =	stileid.u32  }
0x24: {  	s1 =	rddreg [dreg:$0x1];
	p0 =	sne.s32 s2, $0x0  }
0x25: {  	s3 =	rddreg [dreg:$0x2];
	[bflag:$0x3] =	sbarrier.arrive $0xFFFF;
	s2 =	simm.s32 @!p0 $0x1C01  }
0x26: {  	[timem:s3], [sflag:s2] =	dma.local @!p0 [hbm:s0], s1  }
0x27: {  	s0 =	simm.s32 @!p0 $0x1  }
0x28: {  	_ =	swait.ge @!p0 [sflag:s0], s1  }
0x29: {  	s1 =	ssub.s32 @!p0 $0x0, s1;
	[sflag:s0] =	ssyncset.done @!p0 $0x0  }
0x2a: {  	[sflag:s0] =	ssyncadd.s32 @!p0 s1  }
0x2b: {  	[bflag:$0x3] =	sbarrier.arrive $0xFFFF  }
0x2c: {  	_ =	shalt  }

</sc_bundles>
